<compile_context>
chip_gen: v7x
topology: tpu7x:2x2x1
jax: 0.10.2.dev20260603
libtpu: 0.0.44.dev20260713+nightly
codegen_flags: <defaults>
</compile_context>

<pallas_src>
import jax
import jax.numpy as jnp
from jax import lax
from jax.experimental import pallas as pl
from jax.experimental.pallas import tpu as pltpu
from jax.experimental.pallas import tpu_sc as plsc

_K = 1024
_D = 64
_N = 9216
_NW = 32
_CHUNK = 96
_NCH = (_N // _NW) // _CHUNK
_LANES = 16


def _dist_argmin_kernel(xt_ref, cbt_ref, idx_ref, loss_ref):
    xt = xt_ref[...]
    xsq = jnp.sum(xt * xt, axis=0, keepdims=True)
    cbt = cbt_ref[...]
    scores_t = lax.dot_general(
        cbt, xt, (((0,), (0,)), ((), ())),
        preferred_element_type=jnp.float32)
    d = jnp.sum(cbt * cbt, axis=0)[:, None] - 2.0 * scores_t
    idx_ref[...] = jnp.argmin(d, axis=0).astype(jnp.int32)
    loss_ref[...] = ((jnp.sum(jnp.min(d, axis=0)) + jnp.sum(xsq))
                     * (1.25 / (_N * _D)))[None, None]


def _sc_gather_kernel(cb_hbm, idx_hbm, q_hbm, idx_v, rows_v, sem):
    wid = lax.axis_index("s") * 2 + lax.axis_index("c")
    base = wid * _NCH
    pltpu.sync_copy(idx_hbm.at[wid], idx_v)
    copies = [
        pltpu.async_copy(cb_hbm.at[idx_v.at[j]], rows_v.at[j], sem)
        for j in range(_NCH)
    ]
    for cp in copies:
        cp.wait()
    pltpu.sync_copy(rows_v, q_hbm.at[pl.ds(base, _NCH)])


def _hist_entropy_kernel(idx_ref, esum_ref, perp_ref):
    idx = idx_ref[...]
    bins = lax.broadcasted_iota(jnp.int32, (_K, _N), 0)
    onehot = jnp.where(bins == idx[None, :], 1.0, 0.0)
    h = jnp.sum(onehot, axis=1)
    esum_ref[...] = h
    p = h * (1.0 / _N)
    ent = jnp.sum(p * jnp.log(p + 1e-10))
    perp_ref[...] = jnp.exp(-ent)[None, None]


def kernel(inputs, codebook):
    B, T, D = inputs.shape
    flat = inputs.reshape(-1, D)

    idx, loss2 = pl.pallas_call(
        _dist_argmin_kernel,
        grid=(1,),
        in_specs=[pl.BlockSpec((_D, _N), lambda i: (0, 0)),
                  pl.BlockSpec((_D, _K), lambda i: (0, 0))],
        out_specs=[pl.BlockSpec((_N,), lambda i: (0,)),
                   pl.BlockSpec((1, 1), lambda i: (0, 0))],
        out_shape=[jax.ShapeDtypeStruct((_N,), jnp.int32),
                   jax.ShapeDtypeStruct((1, 1), jnp.float32)],
    )(flat.T, codebook.T)

    sc = pl.kernel(
        _sc_gather_kernel,
        (jax.ShapeDtypeStruct((_NW * _NCH, _CHUNK, _D), jnp.float32),),
        mesh=plsc.VectorSubcoreMesh(core_axis_name="c", subcore_axis_name="s"),
        compiler_params=pltpu.CompilerParams(needs_layout_passes=False,
                                             use_tc_tiling_on_sc=False),
        scratch_types=[pltpu.VMEM((_NCH, _CHUNK), jnp.int32),
                       pltpu.VMEM((_NCH, _CHUNK, _D), jnp.float32),
                       pltpu.SemaphoreType.DMA],
    )
    (q3,) = sc(codebook, idx.reshape(_NW, _NCH, _CHUNK))
    quantized = q3.reshape(B, T, D)

    esum, perp2 = pl.pallas_call(
        _hist_entropy_kernel,
        out_shape=(jax.ShapeDtypeStruct((_K,), jnp.float32),
                   jax.ShapeDtypeStruct((1, 1), jnp.float32)),
    )(idx)

    return (loss2[0, 0], quantized, esum, codebook, idx, perp2[0, 0])

# --- scband reference (transcript-rebuilt; emitter-appended) ---
"""Pipeline reference for scband-vector-quantizer-46007689675066 (READ-ONLY COPY).

The authoritative reference and input builder live on the scoring server;
editing this copy changes nothing except your own understanding.
"""

import jax, jax.numpy as jnp
import numpy as np

K = 1024
D = 64
COMMITMENT = 0.25

def setup_inputs(seed: int = 0) -> dict:
    key = jax.random.key(seed)
    k1, k2 = jax.random.split(key)
    inputs = jax.random.normal(k1, (16, 576, D), dtype=jnp.float32)
    codebook = jax.random.normal(k2, (K, D), dtype=jnp.float32) * 0.1
    return {"inputs": inputs, "codebook": codebook}

def reference(inputs, codebook):
    B, T, Dd = inputs.shape
    flat = inputs.reshape(-1, Dd)
    # squared L2 distances to each codebook entry
    distances = (
        jnp.sum(flat ** 2, axis=1, keepdims=True)
        - 2.0 * flat @ codebook.T
        + jnp.sum(codebook ** 2, axis=1)[None, :]
    )
    encoding_indices = jnp.argmin(distances, axis=1)
    quantized = jnp.take(codebook, encoding_indices, axis=0).reshape(inputs.shape)
    # VQ-VAE loss: codebook loss + commitment loss
    loss = (
        COMMITMENT * jnp.mean((jax.lax.stop_gradient(quantized) - inputs) ** 2)
        + jnp.mean((quantized - jax.lax.stop_gradient(inputs)) ** 2)
    )
    # straight-through estimator
    quantized_st = inputs + jax.lax.stop_gradient(quantized - inputs)
    encodings_sum = jnp.bincount(encoding_indices, length=K).astype(jnp.float32)
    # wrapper's perplexity computation (torch.histc equivalent via bincount)
    avg_probs = encodings_sum / encoding_indices.size
    perplexity = jnp.exp(-jnp.sum(avg_probs * jnp.log(avg_probs + 1e-10)))
    return (loss, quantized_st, encodings_sum, codebook, encoding_indices, perplexity)

if __name__ == "__main__":
    import jax
    _d = setup_inputs()
    print(jax.jit(kernel)(*tuple(_d.values())))

</pallas_src>

<mosaic_0001>
#map = affine_map<(d0, d1) -> (0, 0)>
#map1 = affine_map<(d0, d1) -> (0, 0, 0)>
module attributes {stable_mosaic.version = 14 : i64} {
  func.func @_sc_gather_kernel(%arg0: i32, %arg1: i32, %arg2: memref<1024x64xf32, #tpu.memory_space<hbm>>, %arg3: memref<32x3x96xi32, #tpu.memory_space<hbm>>, %arg4: memref<96x96x64xf32, #tpu.memory_space<hbm>>, %arg5: memref<3x96xi32, #tpu.memory_space<vmem>>, %arg6: memref<3x96x64xf32, #tpu.memory_space<vmem>>, %arg7: memref<!tpu.dma_semaphore, #tpu.memory_space<semaphore_mem>>) attributes {dimension_semantics = [#tpu.dimension_semantics<core_parallel>, #tpu.dimension_semantics<subcore_parallel>], iteration_bounds = array<i64: 2, 16>, scalar_prefetch = 0 : i64, scratch_operands = 3 : i64, tpu.core_type = #tpu.core_type<sc_vector_subcore>, window_params = [{transform_indices = #map}, {transform_indices = #map1}, {transform_indices = #map1}]} {
    %mul3A = arith.constant 2 : i32
    %mul3A_0 = arith.muli %arg1, %mul3A : i32
    %add3A = arith.addi %mul3A_0, %arg0 : i32
    %mul3A_1 = arith.constant 3 : i32
    %mul3A_2 = arith.muli %add3A, %mul3A_1 : i32
    "tpu.region"() ({
      %run_scoped3A = tpu.sem_alloc : memref<!tpu.dma_semaphore, #tpu.memory_space<semaphore_mem>>
      %dma_start3A_73 = arith.constant 0 : i32
      %dma_start3A_74 = arith.constant 0 : i32
      %dma_start3A_75 = tpu.memref_slice %arg3[%add3A, %dma_start3A_73, %dma_start3A_74] : memref<32x3x96xi32, #tpu.memory_space<hbm>> -> memref<1x3x96xi32, #tpu.memory_space<hbm>>
      %dma_start3A_76 = tpu.memref_squeeze %dma_start3A_75 : memref<1x3x96xi32, #tpu.memory_space<hbm>> -> memref<3x96xi32, #tpu.memory_space<hbm>>
      %dma_start3A_77 = arith.constant 0 : i32
      %dma_start3A_78 = arith.constant 0 : i32
      %dma_start3A_79 = tpu.memref_slice %arg3[%add3A, %dma_start3A_77, %dma_start3A_78] : memref<32x3x96xi32, #tpu.memory_space<hbm>> -> memref<1x3x96xi32, #tpu.memory_space<hbm>>
      %dma_start3A_80 = tpu.memref_squeeze %dma_start3A_79 : memref<1x3x96xi32, #tpu.memory_space<hbm>> -> memref<3x96xi32, #tpu.memory_space<hbm>>
      tpu.enqueue_dma source(%dma_start3A_80 : memref<3x96xi32, #tpu.memory_space<hbm>>) target(%arg5 : memref<3x96xi32, #tpu.memory_space<vmem>>) target_semaphore(%run_scoped3A : memref<!tpu.dma_semaphore, #tpu.memory_space<semaphore_mem>>)
      %dma_wait3A_81 = arith.constant 0 : i32
      %dma_wait3A_82 = arith.constant 0 : i32
      %dma_wait3A_83 = tpu.memref_slice %arg3[%add3A, %dma_wait3A_81, %dma_wait3A_82] : memref<32x3x96xi32, #tpu.memory_space<hbm>> -> memref<1x3x96xi32, #tpu.memory_space<hbm>>
      %dma_wait3A_84 = tpu.memref_squeeze %dma_wait3A_83 : memref<1x3x96xi32, #tpu.memory_space<hbm>> -> memref<3x96xi32, #tpu.memory_space<hbm>>
      %dma_wait3A_85 = arith.constant 0 : i32
      %dma_wait3A_86 = arith.constant 0 : i32
      %dma_wait3A_87 = tpu.memref_slice %arg3[%add3A, %dma_wait3A_85, %dma_wait3A_86] : memref<32x3x96xi32, #tpu.memory_space<hbm>> -> memref<1x3x96xi32, #tpu.memory_space<hbm>>
      %dma_wait3A_88 = tpu.memref_squeeze %dma_wait3A_87 : memref<1x3x96xi32, #tpu.memory_space<hbm>> -> memref<3x96xi32, #tpu.memory_space<hbm>>
      tpu.wait_dma2 semaphore(%run_scoped3A : memref<!tpu.dma_semaphore, #tpu.memory_space<semaphore_mem>>) src(%dma_wait3A_88 : memref<3x96xi32, #tpu.memory_space<hbm>>) dst(%arg5 : memref<3x96xi32, #tpu.memory_space<vmem>>)
      tpu.yield
    }) : () -> ()
    %dma_start3A = arith.constant 0 : i32
    %dma_start3A_3 = arith.constant 0 : i32
    %dma_start3A_4 = arith.constant 0 : i32
    %dma_start3A_5 = arith.constant 0 : i32
    %dma_start3A_6 = tpu.memref_slice %arg6[%dma_start3A_3, %dma_start3A_4, %dma_start3A_5] : memref<3x96x64xf32, #tpu.memory_space<vmem>> -> memref<1x96x64xf32, #tpu.memory_space<vmem>>
    %dma_start3A_7 = tpu.memref_squeeze %dma_start3A_6 : memref<1x96x64xf32, #tpu.memory_space<vmem>> -> memref<96x64xf32, #tpu.memory_space<vmem>>
    %dma_start3A_8 = arith.constant 0 : i32
    %dma_start3A_9 = tpu.memref_slice %arg5[%dma_start3A, %dma_start3A_8] : memref<3x96xi32, #tpu.memory_space<vmem>> -> memref<1x96xi32, #tpu.memory_space<vmem>>
    %dma_start3A_10 = tpu.memref_squeeze %dma_start3A_9 : memref<1x96xi32, #tpu.memory_space<vmem>> -> memref<96xi32, #tpu.memory_space<vmem>>
    %dma_start3A_11 = arith.constant 0 : i32
    %dma_start3A_12 = arith.constant 0 : i32
    %dma_start3A_13 = tpu.memref_slice %arg2[%dma_start3A_11, %dma_start3A_12] : memref<1024x64xf32, #tpu.memory_space<hbm>> -> memref<1024x64xf32, #tpu.memory_space<hbm>>
    tpu.enqueue_indirect_dma source(%dma_start3A_13 : memref<1024x64xf32, #tpu.memory_space<hbm>>) target(%dma_start3A_7 : memref<96x64xf32, #tpu.memory_space<vmem>>) offsets(%dma_start3A_10 : memref<96xi32, #tpu.memory_space<vmem>>) semaphore(%arg7 : memref<!tpu.dma_semaphore, #tpu.memory_space<semaphore_mem>>)
    %dma_start3A_14 = arith.constant 1 : i32
    %dma_start3A_15 = arith.constant 1 : i32
    %dma_start3A_16 = arith.constant 0 : i32
    %dma_start3A_17 = arith.constant 0 : i32
    %dma_start3A_18 = tpu.memref_slice %arg6[%dma_start3A_15, %dma_start3A_16, %dma_start3A_17] : memref<3x96x64xf32, #tpu.memory_space<vmem>> -> memref<1x96x64xf32, #tpu.memory_space<vmem>>
    %dma_start3A_19 = tpu.memref_squeeze %dma_start3A_18 : memref<1x96x64xf32, #tpu.memory_space<vmem>> -> memref<96x64xf32, #tpu.memory_space<vmem>>
    %dma_start3A_20 = arith.constant 0 : i32
    %dma_start3A_21 = tpu.memref_slice %arg5[%dma_start3A_14, %dma_start3A_20] : memref<3x96xi32, #tpu.memory_space<vmem>> -> memref<1x96xi32, #tpu.memory_space<vmem>>
    %dma_start3A_22 = tpu.memref_squeeze %dma_start3A_21 : memref<1x96xi32, #tpu.memory_space<vmem>> -> memref<96xi32, #tpu.memory_space<vmem>>
    %dma_start3A_23 = arith.constant 0 : i32
    %dma_start3A_24 = arith.constant 0 : i32
    %dma_start3A_25 = tpu.memref_slice %arg2[%dma_start3A_23, %dma_start3A_24] : memref<1024x64xf32, #tpu.memory_space<hbm>> -> memref<1024x64xf32, #tpu.memory_space<hbm>>
    tpu.enqueue_indirect_dma source(%dma_start3A_25 : memref<1024x64xf32, #tpu.memory_space<hbm>>) target(%dma_start3A_19 : memref<96x64xf32, #tpu.memory_space<vmem>>) offsets(%dma_start3A_22 : memref<96xi32, #tpu.memory_space<vmem>>) semaphore(%arg7 : memref<!tpu.dma_semaphore, #tpu.memory_space<semaphore_mem>>)
    %dma_start3A_26 = arith.constant 2 : i32
    %dma_start3A_27 = arith.constant 2 : i32
    %dma_start3A_28 = arith.constant 0 : i32
    %dma_start3A_29 = arith.constant 0 : i32
    %dma_start3A_30 = tpu.memref_slice %arg6[%dma_start3A_27, %dma_start3A_28, %dma_start3A_29] : memref<3x96x64xf32, #tpu.memory_space<vmem>> -> memref<1x96x64xf32, #tpu.memory_space<vmem>>
    %dma_start3A_31 = tpu.memref_squeeze %dma_start3A_30 : memref<1x96x64xf32, #tpu.memory_space<vmem>> -> memref<96x64xf32, #tpu.memory_space<vmem>>
    %dma_start3A_32 = arith.constant 0 : i32
    %dma_start3A_33 = tpu.memref_slice %arg5[%dma_start3A_26, %dma_start3A_32] : memref<3x96xi32, #tpu.memory_space<vmem>> -> memref<1x96xi32, #tpu.memory_space<vmem>>
    %dma_start3A_34 = tpu.memref_squeeze %dma_start3A_33 : memref<1x96xi32, #tpu.memory_space<vmem>> -> memref<96xi32, #tpu.memory_space<vmem>>
    %dma_start3A_35 = arith.constant 0 : i32
    %dma_start3A_36 = arith.constant 0 : i32
    %dma_start3A_37 = tpu.memref_slice %arg2[%dma_start3A_35, %dma_start3A_36] : memref<1024x64xf32, #tpu.memory_space<hbm>> -> memref<1024x64xf32, #tpu.memory_space<hbm>>
    tpu.enqueue_indirect_dma source(%dma_start3A_37 : memref<1024x64xf32, #tpu.memory_space<hbm>>) target(%dma_start3A_31 : memref<96x64xf32, #tpu.memory_space<vmem>>) offsets(%dma_start3A_34 : memref<96xi32, #tpu.memory_space<vmem>>) semaphore(%arg7 : memref<!tpu.dma_semaphore, #tpu.memory_space<semaphore_mem>>)
    %dma_wait3A = arith.constant 0 : i32
    %dma_wait3A_38 = arith.constant 0 : i32
    %dma_wait3A_39 = arith.constant 0 : i32
    %dma_wait3A_40 = arith.constant 0 : i32
    %dma_wait3A_41 = tpu.memref_slice %arg6[%dma_wait3A_38, %dma_wait3A_39, %dma_wait3A_40] : memref<3x96x64xf32, #tpu.memory_space<vmem>> -> memref<1x96x64xf32, #tpu.memory_space<vmem>>
    %dma_wait3A_42 = tpu.memref_squeeze %dma_wait3A_41 : memref<1x96x64xf32, #tpu.memory_space<vmem>> -> memref<96x64xf32, #tpu.memory_space<vmem>>
    %dma_wait3A_43 = arith.constant 0 : i32
    %dma_wait3A_44 = tpu.memref_slice %arg5[%dma_wait3A, %dma_wait3A_43] : memref<3x96xi32, #tpu.memory_space<vmem>> -> memref<1x96xi32, #tpu.memory_space<vmem>>
    %dma_wait3A_45 = tpu.memref_squeeze %dma_wait3A_44 : memref<1x96xi32, #tpu.memory_space<vmem>> -> memref<96xi32, #tpu.memory_space<vmem>>
    %dma_wait3A_46 = arith.constant 0 : i32
    %dma_wait3A_47 = arith.constant 0 : i32
    %dma_wait3A_48 = tpu.memref_slice %arg2[%dma_wait3A_46, %dma_wait3A_47] : memref<1024x64xf32, #tpu.memory_space<hbm>> -> memref<1024x64xf32, #tpu.memory_space<hbm>>
    tpu.wait_indirect_dma semaphore(%arg7 : memref<!tpu.dma_semaphore, #tpu.memory_space<semaphore_mem>>) src(%dma_wait3A_48 : memref<1024x64xf32, #tpu.memory_space<hbm>>) dst(%dma_wait3A_42 : memref<96x64xf32, #tpu.memory_space<vmem>>)
    %dma_wait3A_49 = arith.constant 1 : i32
    %dma_wait3A_50 = arith.constant 1 : i32
    %dma_wait3A_51 = arith.constant 0 : i32
    %dma_wait3A_52 = arith.constant 0 : i32
    %dma_wait3A_53 = tpu.memref_slice %arg6[%dma_wait3A_50, %dma_wait3A_51, %dma_wait3A_52] : memref<3x96x64xf32, #tpu.memory_space<vmem>> -> memref<1x96x64xf32, #tpu.memory_space<vmem>>
    %dma_wait3A_54 = tpu.memref_squeeze %dma_wait3A_53 : memref<1x96x64xf32, #tpu.memory_space<vmem>> -> memref<96x64xf32, #tpu.memory_space<vmem>>
    %dma_wait3A_55 = arith.constant 0 : i32
    %dma_wait3A_56 = tpu.memref_slice %arg5[%dma_wait3A_49, %dma_wait3A_55] : memref<3x96xi32, #tpu.memory_space<vmem>> -> memref<1x96xi32, #tpu.memory_space<vmem>>
    %dma_wait3A_57 = tpu.memref_squeeze %dma_wait3A_56 : memref<1x96xi32, #tpu.memory_space<vmem>> -> memref<96xi32, #tpu.memory_space<vmem>>
    %dma_wait3A_58 = arith.constant 0 : i32
    %dma_wait3A_59 = arith.constant 0 : i32
    %dma_wait3A_60 = tpu.memref_slice %arg2[%dma_wait3A_58, %dma_wait3A_59] : memref<1024x64xf32, #tpu.memory_space<hbm>> -> memref<1024x64xf32, #tpu.memory_space<hbm>>
    tpu.wait_indirect_dma semaphore(%arg7 : memref<!tpu.dma_semaphore, #tpu.memory_space<semaphore_mem>>) src(%dma_wait3A_60 : memref<1024x64xf32, #tpu.memory_space<hbm>>) dst(%dma_wait3A_54 : memref<96x64xf32, #tpu.memory_space<vmem>>)
    %dma_wait3A_61 = arith.constant 2 : i32
    %dma_wait3A_62 = arith.constant 2 : i32
    %dma_wait3A_63 = arith.constant 0 : i32
    %dma_wait3A_64 = arith.constant 0 : i32
    %dma_wait3A_65 = tpu.memref_slice %arg6[%dma_wait3A_62, %dma_wait3A_63, %dma_wait3A_64] : memref<3x96x64xf32, #tpu.memory_space<vmem>> -> memref<1x96x64xf32, #tpu.memory_space<vmem>>
    %dma_wait3A_66 = tpu.memref_squeeze %dma_wait3A_65 : memref<1x96x64xf32, #tpu.memory_space<vmem>> -> memref<96x64xf32, #tpu.memory_space<vmem>>
    %dma_wait3A_67 = arith.constant 0 : i32
    %dma_wait3A_68 = tpu.memref_slice %arg5[%dma_wait3A_61, %dma_wait3A_67] : memref<3x96xi32, #tpu.memory_space<vmem>> -> memref<1x96xi32, #tpu.memory_space<vmem>>
    %dma_wait3A_69 = tpu.memref_squeeze %dma_wait3A_68 : memref<1x96xi32, #tpu.memory_space<vmem>> -> memref<96xi32, #tpu.memory_space<vmem>>
    %dma_wait3A_70 = arith.constant 0 : i32
    %dma_wait3A_71 = arith.constant 0 : i32
    %dma_wait3A_72 = tpu.memref_slice %arg2[%dma_wait3A_70, %dma_wait3A_71] : memref<1024x64xf32, #tpu.memory_space<hbm>> -> memref<1024x64xf32, #tpu.memory_space<hbm>>
    tpu.wait_indirect_dma semaphore(%arg7 : memref<!tpu.dma_semaphore, #tpu.memory_space<semaphore_mem>>) src(%dma_wait3A_72 : memref<1024x64xf32, #tpu.memory_space<hbm>>) dst(%dma_wait3A_66 : memref<96x64xf32, #tpu.memory_space<vmem>>)
    "tpu.region"() ({
      %run_scoped3A = tpu.sem_alloc : memref<!tpu.dma_semaphore, #tpu.memory_space<semaphore_mem>>
      %dma_start3A_73 = arith.constant 0 : i32
      %dma_start3A_74 = arith.constant 0 : i32
      %dma_start3A_75 = tpu.memref_slice %arg4[%mul3A_2, %dma_start3A_73, %dma_start3A_74] : memref<96x96x64xf32, #tpu.memory_space<hbm>> -> memref<3x96x64xf32, #tpu.memory_space<hbm>>
      %dma_start3A_76 = arith.constant 0 : i32
      %dma_start3A_77 = arith.constant 0 : i32
      %dma_start3A_78 = tpu.memref_slice %arg4[%mul3A_2, %dma_start3A_76, %dma_start3A_77] : memref<96x96x64xf32, #tpu.memory_space<hbm>> -> memref<3x96x64xf32, #tpu.memory_space<hbm>>
      tpu.enqueue_dma source(%arg6 : memref<3x96x64xf32, #tpu.memory_space<vmem>>) target(%dma_start3A_78 : memref<3x96x64xf32, #tpu.memory_space<hbm>>) target_semaphore(%run_scoped3A : memref<!tpu.dma_semaphore, #tpu.memory_space<semaphore_mem>>)
      %dma_wait3A_79 = arith.constant 0 : i32
      %dma_wait3A_80 = arith.constant 0 : i32
      %dma_wait3A_81 = tpu.memref_slice %arg4[%mul3A_2, %dma_wait3A_79, %dma_wait3A_80] : memref<96x96x64xf32, #tpu.memory_space<hbm>> -> memref<3x96x64xf32, #tpu.memory_space<hbm>>
      %dma_wait3A_82 = arith.constant 0 : i32
      %dma_wait3A_83 = arith.constant 0 : i32
      %dma_wait3A_84 = tpu.memref_slice %arg4[%mul3A_2, %dma_wait3A_82, %dma_wait3A_83] : memref<96x96x64xf32, #tpu.memory_space<hbm>> -> memref<3x96x64xf32, #tpu.memory_space<hbm>>
      tpu.wait_dma2 semaphore(%run_scoped3A : memref<!tpu.dma_semaphore, #tpu.memory_space<semaphore_mem>>) src(%arg6 : memref<3x96x64xf32, #tpu.memory_space<vmem>>) dst(%dma_wait3A_84 : memref<3x96x64xf32, #tpu.memory_space<hbm>>)
      tpu.yield
    }) : () -> ()
    return
  }
}

module attributes {stable_mosaic.version = 14 : i64} {
  func.func @_hist_entropy_kernel(%arg0: memref<9216xi32, #tpu.memory_space<vmem>>, %arg1: memref<1024xf32, #tpu.memory_space<vmem>>, %arg2: memref<1x1xf32, #tpu.memory_space<vmem>>) attributes {dimension_semantics = [], scalar_prefetch = 0 : i64, scratch_operands = 0 : i64, tpu.core_type = #tpu.core_type<tc>} {
    %get3A = arith.constant 0 : index
    %get3A_0 = vector.load %arg0[%get3A] : memref<9216xi32, #tpu.memory_space<vmem>>, vector<9216xi32>
    %iota3A = tpu.iota {dimensions = array<i32: 0>} : vector<1024x9216xi32>
    %broadcast_in_dim3A = vector.shape_cast %get3A_0 : vector<9216xi32> to vector<1x9216xi32>
    %eq3A = vector.broadcast %broadcast_in_dim3A : vector<1x9216xi32> to vector<1024x9216xi32>
    %eq3A_1 = arith.cmpi eq, %iota3A, %eq3A : vector<1024x9216xi32>
    %jit3A = arith.constant 1.000000e+00 : f32
    %jit3A_2 = arith.constant 0.000000e+00 : f32
    %broadcast_in_dim3A_3 = vector.broadcast %jit3A : f32 to vector<1024x9216xf32>
    %broadcast_in_dim3A_4 = vector.broadcast %jit3A_2 : f32 to vector<1024x9216xf32>
    %select_n3A = arith.select %eq3A_1, %broadcast_in_dim3A_3, %broadcast_in_dim3A_4 : vector<1024x9216xi1>, vector<1024x9216xf32>
    %reduce_sum3A = arith.constant dense<0.000000e+00> : vector<1024xf32>
    %reduce_sum3A_5 = vector.multi_reduction <add>, %select_n3A, %reduce_sum3A [1] : vector<1024x9216xf32> to vector<1024xf32>
    %swap3A = arith.constant 0 : index
    %swap3A_6 = vector.load %arg1[%swap3A] : memref<1024xf32, #tpu.memory_space<vmem>>, vector<1024xf32>
    tpu.vector_store %arg1[%swap3A], %reduce_sum3A_5 {strides = array<i32>} : memref<1024xf32, #tpu.memory_space<vmem>>, vector<1024xf32>,
    %mul3A = arith.constant 1.08506945E-4 : f32
    %mul3A_7 = vector.broadcast %mul3A : f32 to vector<1024xf32>
    %mul3A_8 = arith.mulf %reduce_sum3A_5, %mul3A_7 : vector<1024xf32>
    %add3A = arith.constant 1.000000e-10 : f32
    %add3A_9 = vector.broadcast %add3A : f32 to vector<1024xf32>
    %add3A_10 = arith.addf %mul3A_8, %add3A_9 : vector<1024xf32>
    %log3A = math.log %add3A_10 : vector<1024xf32>
    %mul3A_11 = arith.mulf %mul3A_8, %log3A : vector<1024xf32>
    %reduce_sum3A_12 = vector.shape_cast %mul3A_11 : vector<1024xf32> to vector<1x1024xf32>
    %reduce_sum3A_13 = arith.constant dense<0.000000e+00> : vector<1xf32>
    %reduce_sum3A_14 = vector.multi_reduction <add>, %reduce_sum3A_12, %reduce_sum3A_13 [1] : vector<1x1024xf32> to vector<1xf32>
    %reduce_sum3A_15 = vector.shape_cast %reduce_sum3A_14 : vector<1xf32> to vector<1x1xf32>
    %reduce_sum3A_16 = vector.extract %reduce_sum3A_15[0, 0] : f32 from vector<1x1xf32>
    %neg3A = arith.constant 0.000000e+00 : f32
    %neg3A_17 = arith.subf %neg3A, %reduce_sum3A_16 : f32
    %exp3A = math.exp %neg3A_17 : f32
    %broadcast_in_dim3A_18 = vector.broadcast %exp3A : f32 to vector<1x1xf32>
    %swap3A_19 = arith.constant 0 : index
    %swap3A_20 = arith.constant 0 : index
    %swap3A_21 = vector.load %arg2[%swap3A_19, %swap3A_20] : memref<1x1xf32, #tpu.memory_space<vmem>>, vector<1x1xf32>
    tpu.vector_store %arg2[%swap3A_19, %swap3A_20], %broadcast_in_dim3A_18 {strides = array<i32>} : memref<1x1xf32, #tpu.memory_space<vmem>>, vector<1x1xf32>,
    return
  }
}

module attributes {stable_mosaic.version = 14 : i64} {
  func.func @_dist_argmin_kernel(%arg0: i32, %arg1: memref<64x9216xf32, #tpu.memory_space<vmem>>, %arg2: memref<64x1024xf32, #tpu.memory_space<vmem>>, %arg3: memref<9216xi32, #tpu.memory_space<vmem>>, %arg4: memref<1x1xf32, #tpu.memory_space<vmem>>) attributes {dimension_semantics = [#tpu.dimension_semantics<arbitrary>], iteration_bounds = array<i64: 1>, scalar_prefetch = 0 : i64, scratch_operands = 0 : i64, tpu.core_type = #tpu.core_type<tc>, window_params = [{pipeline_mode = #tpu.pipeline_mode<synchronous>, transform_indices = @transform_0, window_bounds = array<i64: 64, 9216>}, {pipeline_mode = #tpu.pipeline_mode<synchronous>, transform_indices = @transform_1, window_bounds = array<i64: 64, 1024>}, {pipeline_mode = #tpu.pipeline_mode<synchronous>, transform_indices = @transform_2, window_bounds = array<i64: 9216>}, {pipeline_mode = #tpu.pipeline_mode<synchronous>, transform_indices = @transform_3, window_bounds = array<i64: 1, 1>}]} {
    %get3A = arith.constant 0 : index
    %get3A_0 = arith.constant 0 : index
    %get3A_1 = vector.load %arg1[%get3A, %get3A_0] : memref<64x9216xf32, #tpu.memory_space<vmem>>, vector<64x9216xf32>
    %mul3A = arith.mulf %get3A_1, %get3A_1 : vector<64x9216xf32>
    %reduce_sum3A = arith.constant dense<0.000000e+00> : vector<9216xf32>
    %reduce_sum3A_2 = vector.multi_reduction <add>, %mul3A, %reduce_sum3A [0] : vector<64x9216xf32> to vector<9216xf32>
    %broadcast_in_dim3A = vector.shape_cast %reduce_sum3A_2 : vector<9216xf32> to vector<1x9216xf32>
    %get3A_3 = arith.constant 0 : index
    %get3A_4 = arith.constant 0 : index
    %get3A_5 = vector.load %arg2[%get3A_3, %get3A_4] : memref<64x1024xf32, #tpu.memory_space<vmem>>, vector<64x1024xf32>
    %dot_general3A = arith.constant dense<0.000000e+00> : vector<1024x9216xf32>
    %dot_general3A_6 = tpu.matmul %get3A_5, %get3A_1, %dot_general3A {dimension_numbers = #tpu.dot_dimension_numbers<[0], [0], [1], [1], [0, 1, 1, 1], [], []>, transpose_lhs_hint = false} : vector<64x1024xf32>, vector<64x9216xf32>, vector<1024x9216xf32> -> vector<1024x9216xf32>
    %mul3A_7 = arith.mulf %get3A_5, %get3A_5 : vector<64x1024xf32>
    %reduce_sum3A_8 = arith.constant dense<0.000000e+00> : vector<1024xf32>
    %reduce_sum3A_9 = vector.multi_reduction <add>, %mul3A_7, %reduce_sum3A_8 [0] : vector<64x1024xf32> to vector<1024xf32>
    %broadcast_in_dim3A_10 = vector.shape_cast %reduce_sum3A_9 : vector<1024xf32> to vector<1024x1xf32>
    %mul3A_11 = arith.constant 2.000000e+00 : f32
    %mul3A_12 = vector.broadcast %mul3A_11 : f32 to vector<1024x9216xf32>
    %mul3A_13 = arith.mulf %mul3A_12, %dot_general3A_6 : vector<1024x9216xf32>
    %sub3A = vector.broadcast %broadcast_in_dim3A_10 : vector<1024x1xf32> to vector<1024x9216xf32>
    %sub3A_14 = arith.subf %sub3A, %mul3A_13 : vector<1024x9216xf32>
    %argmin3A = tpu.reduce_index %sub3A_14 {axis = 0 : i32, kind = #tpu.reduction_kind<arg_min>} : vector<1024x9216xf32> -> vector<9216xi32>
    %swap3A = arith.constant 0 : index
    %swap3A_15 = vector.load %arg3[%swap3A] : memref<9216xi32, #tpu.memory_space<vmem>>, vector<9216xi32>
    tpu.vector_store %arg3[%swap3A], %argmin3A {strides = array<i32>} : memref<9216xi32, #tpu.memory_space<vmem>>, vector<9216xi32>,
    %reduce_min3A = arith.constant dense<0x7F800000> : vector<9216xf32>
    %reduce_min3A_16 = vector.multi_reduction <minimumf>, %sub3A_14, %reduce_min3A [0] : vector<1024x9216xf32> to vector<9216xf32>
    %reduce_sum3A_17 = vector.shape_cast %reduce_min3A_16 : vector<9216xf32> to vector<1x9216xf32>
    %reduce_sum3A_18 = arith.constant dense<0.000000e+00> : vector<1xf32>
    %reduce_sum3A_19 = vector.multi_reduction <add>, %reduce_sum3A_17, %reduce_sum3A_18 [1] : vector<1x9216xf32> to vector<1xf32>
    %reduce_sum3A_20 = vector.shape_cast %reduce_sum3A_19 : vector<1xf32> to vector<1x1xf32>
    %reduce_sum3A_21 = vector.extract %reduce_sum3A_20[0, 0] : f32 from vector<1x1xf32>
    %reduce_sum3A_22 = vector.shape_cast %broadcast_in_dim3A : vector<1x9216xf32> to vector<1x1x9216xf32>
    %reduce_sum3A_23 = arith.constant dense<0.000000e+00> : vector<1xf32>
    %reduce_sum3A_24 = vector.multi_reduction <add>, %reduce_sum3A_22, %reduce_sum3A_23 [1, 2] : vector<1x1x9216xf32> to vector<1xf32>
    %reduce_sum3A_25 = vector.shape_cast %reduce_sum3A_24 : vector<1xf32> to vector<1x1x1xf32>
    %reduce_sum3A_26 = vector.extract %reduce_sum3A_25[0, 0, 0] : f32 from vector<1x1x1xf32>
    %add3A = arith.addf %reduce_sum3A_21, %reduce_sum3A_26 : f32
    %mul3A_27 = arith.constant 2.11927636E-6 : f32
    %mul3A_28 = arith.mulf %add3A, %mul3A_27 : f32
    %broadcast_in_dim3A_29 = vector.broadcast %mul3A_28 : f32 to vector<1x1xf32>
    %swap3A_30 = arith.constant 0 : index
    %swap3A_31 = arith.constant 0 : index
    %swap3A_32 = vector.load %arg4[%swap3A_30, %swap3A_31] : memref<1x1xf32, #tpu.memory_space<vmem>>, vector<1x1xf32>
    tpu.vector_store %arg4[%swap3A_30, %swap3A_31], %broadcast_in_dim3A_29 {strides = array<i32>} : memref<1x1xf32, #tpu.memory_space<vmem>>, vector<1x1xf32>,
    return
  }
  func.func @transform_0(%arg0: i32) -> (i32, i32) {
    %c0_i32 = arith.constant 0 : i32
    %c0_i32_0 = arith.constant 0 : i32
    %c0_i32_1 = arith.constant 0 : i32
    return %c0_i32, %c0_i32_0 : i32, i32
  }
  func.func @transform_1(%arg0: i32) -> (i32, i32) {
    %c0_i32 = arith.constant 0 : i32
    %c0_i32_0 = arith.constant 0 : i32
    %c0_i32_1 = arith.constant 0 : i32
    return %c0_i32, %c0_i32_0 : i32, i32
  }
  func.func @transform_2(%arg0: i32) -> i32 {
    %c0_i32 = arith.constant 0 : i32
    %c0_i32_0 = arith.constant 0 : i32
    return %c0_i32 : i32
  }
  func.func @transform_3(%arg0: i32) -> (i32, i32) {
    %c0_i32 = arith.constant 0 : i32
    %c0_i32_0 = arith.constant 0 : i32
    %c0_i32_1 = arith.constant 0 : i32
    return %c0_i32, %c0_i32_0 : i32, i32
  }
}

</mosaic_0001>

<sc_bundles>
// kernel: kernel.5.cloned.1.call-start
scs
__scs_entry_jumppad:
0x0: {  	(pc) =	sbr.rel $0x88, $3  }
0x1: {  	(tag) =	ssettag $0x0;
	lr =	simm.s32 $0x1  }
0x2: {  	[smem:$0x3F9F] =	sst lr;
	_ =	strace $0xD0000000  }
0x3: {  	_ = 	snop  }
0x4: {  	_ = 	snop  }
0x5: {  	_ = 	snop  }
0x6: {  	_ = 	snop  }
0x7: {  	_ = 	snop  }
__scs_overlays_trampoline_lowered:
0x8: {  	[smem:$0x3FAE] =	sst s0  }
0x9: {  	[smem:$0x3FAF] =	sst s1  }
0xa: {  	[smem:$0x3FB0] =	sst s2  }
0xb: {  	[smem:$0x3FB1] =	sst s3  }
0xc: {  	[smem:$0x3FB2] =	sst s4  }
0xd: {  	[smem:$0x3FB3] =	sst s5  }
0xe: {  	[smem:$0x3FB4] =	sst s6  }
0xf: {  	[smem:$0x3FB5] =	sst s7  }
0x10: {  	[smem:$0x3FB6] =	sst s8  }
0x11: {  	[smem:$0x3FB7] =	sst s9;
	s0 =	simm.s32 @!p0 $0x0  }
0x12: {  	s1 =	sld [smem:$0x3F9D];
	s0 =	simm.s32 @p0 $0x1  }
0x13: {  	[smem:$0x3FB8] =	sst s0;
	s0 =	simm.s32 @!p1 $0x0  }
0x14: {  	s2 =	sld [smem:$0x3F9C];
	s0 =	simm.s32 @p1 $0x1  }
0x15: {  	[smem:$0x3FB9] =	sst s0;
	s0 =	simm.s32 @!p2 $0x0  }
0x16: {  	s3 =	sld [smem:$0x3FDB];
	s0 =	simm.s32 @p2 $0x1  }
0x17: {  	s4 =	simm.s32 $0x1BF5;
	[smem:$0x3FBB] =	sst s0  }
0x18: {  	s0 =	sld [smem:$0x3F9E];
	_ =	swait.ge [sflag:s4], $0x0  }
0x19: {  	s7 =	sld [smem:$0x3F9F]  }
0x1a: {  	s8 =	sadd.s32 $0xFFFFE003, lr  }
0x1b: {  	s9 =	sadd.s32 $0xFFFFFEF7, lr;
	s5 =	simm.s32 $0xFFFFFFFF;
	p2 =	slt.u32 s8, $0xFFFFF086  }
0x1c: {  	p1 =	slt.u32 s9, $0xF7A;
	s5 =	simm.s32 @!p2 $0x0  }
0x1d: {  	s5 =	simm.s32 @p1 $0x1;
	p0 =	seq.s32 s7, s2  }
0x1e: {  	s7 =	smul.u32 @!p0 $0xF7A, s2;
	p2 =	seq.s32 @!p0 s5, $0x0  }
0x1f: {  	s9 =	smul.u32 $0xF7A, s1;
	s8 =	simm.s32 @!p0 $0x1BF5;
	p2 =	por !p2, p0  }
0x20: {  	[sflag:s8] =	ssyncset.s32 @!p0 $0xFFFFF086;
	s6 =	sadd.s32 @!p0 s3, s7;
	s7 =	simm.s32 @!p0 $0x108  }
0x21: {  	s3 =	sadd.s32 s3, s9;
	s6 =	sadd.s32 @!p0 $0x88, s6;
	s7 =	simm.s32 @p2 $0x1082  }
0x22: {  	[simem:s7], [sflag:s8] =	dma.local @!p0 [hbm:s6], $0xF7A  }
0x23: {  	s9 =	sor.u32 $0xD0000000, s2;
	s6 =	simm.s32 $0x108;
	_ =	swait.ge @!p0 [sflag:s8], $0x0  }
0x24: {  	s3 =	sadd.s32 $0x88, s3;
	s6 =	simm.s32 @!p1 $0x1082;
	[sflag:s4] =	ssyncset.s32 $0xFFFFF086  }
0x25: {  	[simem:s6], [sflag:s4] =	dma.local [hbm:s3], $0xF7A  }
0x26: {  	[smem:$0x3F9F] =	sst s1;
	(tag) =	ssettag s2;
	_ =	strace s9  }
0x27: {  	s1 =	sld [smem:$0x3FAF]  }
0x28: {  	s2 =	sld [smem:$0x3FB0]  }
0x29: {  	s4 =	sld [smem:$0x3FB2]  }
0x2a: {  	p0 =	seq.s32 s5, $0x0;
	s5 =	sld [smem:$0x3FB3]  }
0x2b: {  	s6 =	sld [smem:$0x3FB4]  }
0x2c: {  	s7 =	sld [smem:$0x3FB5]  }
0x2d: {  	s3 =	simm.s32 $0x108;
	s8 =	sld [smem:$0x3FB6]  }
0x2e: {  	s3 =	simm.s32 @!p0 $0x1082;
	s9 =	sld [smem:$0x3FB7]  }
0x2f: {  	lr =	sadd.s32 s0, s3;
	s0 =	sld [smem:$0x3FAE]  }
0x30: {  	s3 =	sld [smem:$0x3FB1]  }
0x31: {  	[smem:$0x3FBA] =	sst s10  }
0x32: {  	s10 =	sld [smem:$0x3FB8];
	_ =	sdelay $0x3  }
0x33: {  	p0 =	seq.s32 s10, $0x1;
	s10 =	sld [smem:$0x3FBA];
	_ =	sdelay $0x3  }
0x34: {  	[smem:$0x3FBA] =	sst s10  }
0x35: {  	s10 =	sld [smem:$0x3FB9];
	_ =	sdelay $0x3  }
0x36: {  	p1 =	seq.s32 s10, $0x1;
	s10 =	sld [smem:$0x3FBA];
	_ =	sdelay $0x3  }
0x37: {  	[smem:$0x3FBA] =	sst s10  }
0x38: {  	s10 =	sld [smem:$0x3FBB]  }
0x39: {  	_ = 	snop;
	(pc) =	sbr.ind lr, $3  }
0x3a: {  	_ = 	snop  }
0x3b: {  	_ = 	snop  }
0x3c: {  	p2 =	seq.s32 s10, $0x1;
	s10 =	sld [smem:$0x3FBA]  }
0x3d: {  	_ =	shalt  }
0x3e: {  	_ =	shalt  }
0x3f: {  	_ =	shalt  }
0x40: {  	_ =	shalt  }
0x41: {  	_ =	shalt  }
0x42: {  	_ =	shalt  }
0x43: {  	_ =	shalt  }
0x44: {  	_ =	shalt  }
0x45: {  	_ =	shalt  }
0x46: {  	_ =	shalt  }
0x47: {  	_ =	shalt  }
0x48: {  	_ =	shalt  }
0x49: {  	_ =	shalt  }
0x4a: {  	_ =	shalt  }
0x4b: {  	_ =	shalt  }
0x4c: {  	_ =	shalt  }
0x4d: {  	_ =	shalt  }
0x4e: {  	_ =	shalt  }
0x4f: {  	_ =	shalt  }
0x50: {  	_ =	shalt  }
0x51: {  	_ =	shalt  }
0x52: {  	_ =	shalt  }
0x53: {  	_ =	shalt  }
0x54: {  	_ =	shalt  }
0x55: {  	_ =	shalt  }
0x56: {  	_ =	shalt  }
0x57: {  	_ =	shalt  }
0x58: {  	_ =	shalt  }
0x59: {  	_ =	shalt  }
0x5a: {  	_ =	shalt  }
0x5b: {  	_ =	shalt  }
0x5c: {  	_ =	shalt  }
0x5d: {  	_ =	shalt  }
0x5e: {  	_ =	shalt  }
0x5f: {  	_ =	shalt  }
0x60: {  	_ =	shalt  }
0x61: {  	_ =	shalt  }
0x62: {  	_ =	shalt  }
0x63: {  	_ =	shalt  }
0x64: {  	_ =	shalt  }
0x65: {  	_ =	shalt  }
0x66: {  	_ =	shalt  }
0x67: {  	_ =	shalt  }
0x68: {  	_ =	shalt  }
0x69: {  	_ =	shalt  }
0x6a: {  	_ =	shalt  }
0x6b: {  	_ =	shalt  }
0x6c: {  	_ =	shalt  }
0x6d: {  	_ =	shalt  }
0x6e: {  	_ =	shalt  }
0x6f: {  	_ =	shalt  }
0x70: {  	_ =	shalt  }
0x71: {  	_ =	shalt  }
0x72: {  	_ =	shalt  }
0x73: {  	_ =	shalt  }
0x74: {  	_ =	shalt  }
0x75: {  	_ =	shalt  }
0x76: {  	_ =	shalt  }
0x77: {  	_ =	shalt  }
0x78: {  	_ =	shalt  }
0x79: {  	_ =	shalt  }
0x7a: {  	_ =	shalt  }
0x7b: {  	_ =	shalt  }
0x7c: {  	_ =	shalt  }
0x7d: {  	_ =	shalt  }
0x7e: {  	_ =	shalt  }
0x7f: {  	_ =	shalt  }
0x80: {  	_ =	shalt  }
0x81: {  	_ =	shalt  }
0x82: {  	_ =	shalt  }
0x83: {  	_ =	shalt  }
0x84: {  	_ =	shalt  }
0x85: {  	_ =	shalt  }
0x86: {  	_ =	shalt  }
0x87: {  	_ =	shalt  }
.Lfunc_end0:
.L_simem_size_0:
called_computation_lowered:
.L_overlay_start_0:
0x88: {  	s2 =	sld [smem:$0x3FD9]  }
0x89: {  	s3 =	sld [smem:$0x3FFE];
	_ =	sdelay $0x1  }
0x8a: {  	s1 =	srdreg.scid  }
0x8b: {  	s0 =	sand.u32 $0x1, s1  }
0x8c: {  	s15 =	sshll.u32 s0, $0xA;
	s2 =	sadd.s32 s3, s2  }
0x8d: {  	s2 =	sadd.s32 s2, s15  }
0x8e: {  	[smem:$0x3FC6] =	sst s2  }
0x8f: {  	_ = 	snop  }
0x90: {  	s2 =	sld [smem:$0x3FD0];
	_ =	sdelay $0x2  }
0x91: {  	s16 =	simm.s32 $0xA;
	s4 =	simm.s32 $0x10  }
0x92: {  	[smem:s4], [sflag:s16] =	dma.local [hbm:s2], $0x1  }
0x93: {  	_ =	swait.eq [sflag:s16], $0x1  }
0x94: {  	s17 =	sld [smem:$0x11];
	[sflag:s16] =	ssyncset.done $0x0  }
0x95: {  	s18 =	sld [smem:$0x13];
	[sflag:s16] =	ssyncadd.s32 $0xFFFFFFFF  }
0x96: {  	s19 =	sld [smem:$0x14];
	(tm) =	ssettm $0x1  }
0x97: {  	s5 =	sld [smem:$0x3FFB];
	_ =	sdelay $0x3  }
0x98: {  	_ =	strace s5  }
0x99: {  	s5 =	sld [smem:$0x3FFC];
	_ =	sdelay $0x3  }
0x9a: {  	_ =	strace s5  }
0x9b: {  	s5 =	sld [smem:$0x3FFD];
	_ =	sdelay $0x3  }
0x9c: {  	_ =	strace s5  }
0x9d: {  	_ =	strace $0x8FFFFFFF  }
0x9e: {  	s20 =	sld [smem:$0x3FDB];
	_ =	sdelay $0x1  }
0x9f: {  	s6 =	simm.s32 $_scs_section_size  }
0xa0: {  	s7 =	simm.s32 $_size__tile_overlayer_lowered;
	s8 =	simm.s32 $_tile_overlayer_lowered  }
0xa1: {  	s23 =	simm.s32 $0x1BFF;
	s22 =	sshll.u32 s8, $0x1;
	s5 =	sadd.s32 s6, s20  }
0xa2: {  	s9 =	simm.s32 $0x0;
	s21 =	sshll.u32 s7, $0x1;
	s7 =	sadd.s32 s22, s5  }
0xa3: {  	[timem:s9], [sflag:s23] =	dma.local [hbm:s7], s21  }
0xa4: {  	_ =	swait.ge [sflag:s23], s21  }
0xa5: {  	s6 =	ssub.s32 $0x0, s21;
	[sflag:s23] =	ssyncset.done $0x0  }
0xa6: {  	[sflag:s23] =	ssyncadd.s32 s6;
	_ =	sdelay $0x1  }
0xa7: {  	s24 =	simm.s32 $0x1B8B  }
0xa8: {  	_ =	swait.ge [sflag:s24], $0x1  }
0xa9: {  	[sflag:s24] =	ssyncset.done $0x0  }
0xaa: {  	s25 =	simm.s32 $0x1B8E;
	[sflag:s24] =	ssyncadd.s32 $0xFFFFFFFF  }
0xab: {  	s26 =	simm.s32 $execute0_lowered;
	[smem:$0x3FD2] =	sst s25  }
0xac: {  	s6 =	sshll.u32 s26, $0x1;
	_ =	strace $0x80000046;
	[dreg:$0x1] =	wrdreg $0xFFFFFFFF  }
0xad: {  	s28 =	simm.s32 $_size_execute0_lowered;
	s5 =	sadd.s32 s5, s6;
	[dreg:$0x0] =	wrdreg $0x0  }
0xae: {  	s6 =	sshll.u32 s28, $0x1;
	[dreg:$0x2] =	wrdreg s5  }
0xaf: {  	[dreg:$0x3] =	wrdreg s6  }
0xb0: {  	[dreg:$0x4] =	wrdreg $0xC0  }
0xb1: {  	_ =	task [dreg:s9], $0x5FFFF  }
0xb2: {  	[dreg:$0x1] =	wrdreg $0xFFFFFFFF  }
0xb3: {  	[dreg:$0x0] =	wrdreg $0x60  }
0xb4: {  	[dreg:$0x2] =	wrdreg s18  }
0xb5: {  	[dreg:$0x3] =	wrdreg s19  }
0xb6: {  	[dreg:$0x4] =	wrdreg s17  }
0xb7: {  	[dreg:$0x5] =	wrdreg $0x9  }
0xb8: {  	_ =	task.clear_ibuf [dreg:s9], $0x6FFFF;
	_ =	strace $0x90000046  }
0xb9: {  	s29 =	simm.s32 $0x9;
	_ =	strace $0x80000048  }
0xba: {  	_ =	swait.ge [sflag:s29], $0x1  }
0xbb: {  	[sflag:s29] =	ssyncadd.s32 $0xFFFFFFFF  }
0xbc: {  	_ =	strace $0x90000048  }
0xbd: {  	_ =	sfence  }
0xbe: {  	s30 =	sld [smem:$0x0];
	_ =	sdelay $0x2  }
0xbf: {  	s31 =	sshll.u32 s1, $0xD;
	s1 =	sshrl.u32 s1, $0x2  }
0xc0: {  	s3 =	sand.u32 $0x4000, s31;
	s1 =	sadd.s32 s1, s30  }
0xc1: {  	s0 =	sor.u32 s3, s0;
	s1 =	sshll.u32 s1, $0x11  }
0xc2: {  	s0 =	sor.u32 s1, s0  }
0xc3: {  	s0 =	sadd.s32 $0x8F2B, s0  }
0xc4: {  	[sflag:s0] =	ssyncadd.remote.s32 $0x1  }
0xc5: {  	_ =	sfence.sel $0xFFFF  }
0xc6: {  	[dreg:$0x0] =	wrdreg $0xFFFFFFFF;
	(pc) =	sbr.abs _section_cstart, $3  }
0xc7: {  	[dreg:$0x1] =	wrdreg $0xFFFFFFFF  }
0xc8: {  	_ =	task.clear_ibuf [dreg:s9], $0x2FFFF;
	_ =	strace $0x9FFFFFFF  }
0xc9: {  	(tm) =	ssettm $0x7FFFFFFF  }
tec
execute0_lowered:
.L_overlay_start_1:
0x0: {  	(tag) =	ssettag $0x1  }
0x1: {  	s1 =	rddreg [dreg:$0x0]  }
0x2: {  	s2 =	srdreg.scid;
	s0 =	stileid.u32  }
0x3: {  	s4 =	rddreg [dreg:$0x1];
	s12 =	sand.u32 $0x1, s2;
	s30 =	sshll.u32 s0, $0x1  }
0x4: {  	s13 =	rddreg [dreg:$0x2];
	s14 =	sor.u32 s12, s30  }
0x5: {  	s3 =	simm.s32 $0x0;
	s2 =	rddreg [dreg:$0x3];
	s5 =	smul.u32 $0x24, s14  }
0x6: {  	[smem:$0x7FF] =	sst s3  }
0x7: {  	_ =	strace $0x80000047;
	s5 =	sadd.s32 s4, s5;
	s4 =	simm.s32 $0x2  }
0x8: {  	[tilespmem:s3], [sflag:$0x2] =	stream.linear.gather [hbm4b:s5+s3], $0x120, $0x38;
	[tilespmem:$0x4920] =	vst v63  }
0x9: {  	_ =	swait.ge [sflag:s4], $0x120  }
0xa: {  	[sflag:s4] =	ssyncset.done $0x0  }
0xb: {  	s6 =	simm.s32 $0x60;
	s7 =	simm.s32 $0x120;
	[sflag:s4] =	ssyncadd.s32 $0xFFFFFEE0  }
0xc: {  	[tilespmem:s7], [sflag:$0x1] =	stream.indirect.gather [hbm4b:s1+s6], $0x40, s3, s6, $0xb8;
	[tilespmem:$0x4920] =	vst v63  }
0xd: {  	s8 =	simm.s32 $0x1920  }
0xe: {  	[tilespmem:s8], [sflag:$0x1] =	stream.indirect.gather [hbm4b:s1+s6], $0x40, s6, s6, $0xb8;
	[tilespmem:$0x4920] =	vst v63  }
0xf: {  	s9 =	simm.s32 $0xC0;
	s10 =	simm.s32 $0x3120;
	s11 =	simm.s32 $0x1  }
0x10: {  	[tilespmem:s10], [sflag:$0x1] =	stream.indirect.gather [hbm4b:s1+s6], $0x40, s9, s6, $0xb8;
	[tilespmem:$0x4920] =	vst v63  }
0x11: {  	_ =	swait.ge [sflag:s11], $0x1800  }
0x12: {  	[sflag:s11] =	ssyncset.done $0x0  }
0x13: {  	s12 =	ssub.s32 $0x2, s12;
	[sflag:s11] =	ssyncadd.s32 $0xFFFFE800  }
0x14: {  	s15 =	sshrl.u32 s12, $0x1;
	_ =	swait.ge [sflag:s11], $0x1800  }
0x15: {  	s15 =	ssub.s32 s12, s15;
	[sflag:s11] =	ssyncset.done $0x0  }
0x16: {  	s31 =	smax.u32 s15, $0x1;
	[sflag:s11] =	ssyncadd.s32 $0xFFFFE800  }
0x17: {  	s14 =	smul.u32 $0x900, s14;
	p0 =	sne.s32 s31, $0x1;
	_ =	swait.ge [sflag:s11], $0x1800  }
.Ltmp0:
0x18: {  	[sflag:s11] =	ssyncset.done $0x0;
	(pc) =	sbr.rel @!p0 .LBB2_2-.Ltmp0, $4  }
0x19: {  	s12 =	sadd.s32 s13, s14;
	[sflag:s11] =	ssyncadd.s32 $0xFFFFE800  }
0x1a: {  	[hbm4b:s12+s3] =	stream.linear.scatter [tilespmem:s7], [sflag:$0x2], $0x4800, $0x38;
	[tilespmem:$0x4920] =	vst v63  }
0x1b: {  	_ =	swait.ge [sflag:s4], $0x4800  }
0x1c: {  	s13 =	sadd.s32 $0xFFFFFFFF, s31;
	[sflag:s4] =	ssyncset.done $0x0  }
.LBB2_1:
0x1d: {  	p0 =	sne.s32 s13, $0x1;
	s13 =	sadd.s32 $0xFFFFFFFF, s13;
	[sflag:s4] =	ssyncadd.s32 $0xFFFFB800  }
0x1e: {  	[tilespmem:s3], [sflag:$0x2] =	stream.linear.gather [hbm4b:s5+s3], $0x120, $0x38;
	[tilespmem:$0x4920] =	vst v63  }
0x1f: {  	_ =	swait.ge [sflag:s4], $0x120  }
0x20: {  	[sflag:s4] =	ssyncset.done $0x0  }
0x21: {  	[sflag:s4] =	ssyncadd.s32 $0xFFFFFEE0  }
0x22: {  	[tilespmem:s7], [sflag:$0x1] =	stream.indirect.gather [hbm4b:s1+s6], $0x40, s3, s6, $0xb8;
	[tilespmem:$0x4920] =	vst v63  }
0x23: {  	_ = 	snop  }
0x24: {  	[tilespmem:s8], [sflag:$0x1] =	stream.indirect.gather [hbm4b:s1+s6], $0x40, s6, s6, $0xb8;
	[tilespmem:$0x4920] =	vst v63  }
0x25: {  	_ = 	snop  }
0x26: {  	[tilespmem:s10], [sflag:$0x1] =	stream.indirect.gather [hbm4b:s1+s6], $0x40, s9, s6, $0xb8;
	[tilespmem:$0x4920] =	vst v63  }
0x27: {  	_ =	swait.ge [sflag:s11], $0x1800  }
0x28: {  	[sflag:s11] =	ssyncset.done $0x0  }
0x29: {  	[sflag:s11] =	ssyncadd.s32 $0xFFFFE800  }
0x2a: {  	_ =	swait.ge [sflag:s11], $0x1800  }
0x2b: {  	[sflag:s11] =	ssyncset.done $0x0  }
0x2c: {  	[sflag:s11] =	ssyncadd.s32 $0xFFFFE800  }
0x2d: {  	_ =	swait.ge [sflag:s11], $0x1800  }
.Ltmp1:
0x2e: {  	[sflag:s11] =	ssyncset.done $0x0;
	(pc) =	sbr.rel @p0 .LBB2_1-.Ltmp1, $4  }
0x2f: {  	[sflag:s11] =	ssyncadd.s32 $0xFFFFE800  }
0x30: {  	[hbm4b:s12+s3] =	stream.linear.scatter [tilespmem:s7], [sflag:$0x2], $0x4800, $0x38;
	[tilespmem:$0x4920] =	vst v63  }
0x31: {  	_ =	swait.ge [sflag:s4], $0x4800  }
0x32: {  	[sflag:s4] =	ssyncset.done $0x0  }
.LBB2_2:
0x33: {  	[sflag:s4] =	ssyncadd.s32 $0xFFFFB800  }
0x34: {  	_ =	sfence.sel $0x180000  }
0x35: {  	[bflag:$0x0] =	sbarrier.arrive $0xFFFF  }
0x36: {  	p0 =	sne.s32 s0, $0x0;
	_ =	strace $0x90000047  }
0x37: {  	s0 =	sadd.s32 @!p0 $0x100000, s2;
	[bflag:$0x2] =	sbarrier.arrive $0xFFFF  }
0x38: {  	[sflag:s0] =	ssyncadd.tile.s32 @!p0 $0x1;
	_ =	shalt  }
.Lfunc_end2:
_tile_overlayer_lowered:
.L_overlay_start_2:
0x39: {  	(tag) =	ssettag $0x2  }
0x3a: {  	s0 =	rddreg [dreg:$0x0];
	s2 =	stileid.u32  }
0x3b: {  	s1 =	rddreg [dreg:$0x1];
	p0 =	sne.s32 s2, $0x0  }
0x3c: {  	s3 =	rddreg [dreg:$0x2];
	[bflag:$0x3] =	sbarrier.arrive $0xFFFF;
	s2 =	simm.s32 @!p0 $0x1C02  }
0x3d: {  	[timem:s3], [sflag:s2] =	dma.local @!p0 [hbm:s0], s1  }
0x3e: {  	s0 =	simm.s32 @!p0 $0x2  }
0x3f: {  	_ =	swait.ge @!p0 [sflag:s0], s1  }
0x40: {  	s1 =	ssub.s32 @!p0 $0x0, s1;
	[sflag:s0] =	ssyncset.done @!p0 $0x0  }
0x41: {  	[sflag:s0] =	ssyncadd.s32 @!p0 s1  }
0x42: {  	[bflag:$0x3] =	sbarrier.arrive $0xFFFF  }
0x43: {  	_ =	shalt  }

</sc_bundles>
